<compile_context>
chip_gen: v7x
topology: tpu7x:2x2x1
jax: 0.10.2.dev20260603
libtpu: 0.0.44.dev20260713+nightly
codegen_flags: <defaults>
</compile_context>

<pallas_src>
import functools

import jax
import jax.numpy as jnp
from jax import lax
from jax.experimental import pallas as pl
from jax.experimental.pallas import tpu as pltpu
from jax.experimental.pallas import tpu_sc as plsc

B = 16384
S = 50
D = 64

NC = 2
NS = 16
NW = NC * NS
BPW = B // NW
CH = 8
NB = 2
NCHUNK = BPW // CH


SP = 64
SE = 56


def _sc_sample_gather(user_ids, user_sample_items_pad):

    mesh = plsc.VectorSubcoreMesh(core_axis_name="c", subcore_axis_name="s")

    @functools.partial(
        pl.kernel,
        mesh=mesh,
        compiler_params=pltpu.CompilerParams(use_tc_tiling_on_sc=False),
        out_type=jax.ShapeDtypeStruct((B, SP), jnp.int32),
        scratch_types=[
            pltpu.VMEM((BPW // 128, 128), jnp.int32),
            pltpu.VMEM((BPW, SP), jnp.int32),
            pltpu.SemaphoreType.DMA,
        ],
    )
    def k(uid_hbm, table_hbm, samp_out, uid_v, samp_v, sem2):
        wid = lax.axis_index("s") * NC + lax.axis_index("c")
        base = wid * BPW
        nrow = BPW // 128
        pltpu.sync_copy(uid_hbm.at[pl.ds(wid * nrow, nrow)], uid_v)
        scopies = [
            pltpu.async_copy(
                table_hbm.at[uid_v.at[j]],
                samp_v.at[pl.ds(j * 128, 128)],
                sem2,
            )
            for j in range(nrow)
        ]
        for cp in scopies:
            cp.wait()
        pltpu.sync_copy(samp_v, samp_out.at[pl.ds(base, BPW)])

    return k(user_ids, user_sample_items_pad)


GI = 128
NGB = 4
NG = BPW * S // GI


def _sc_emb_gather(samp_flat, all_items):

    mesh = plsc.VectorSubcoreMesh(core_axis_name="c", subcore_axis_name="s")

    @functools.partial(
        pl.kernel,
        mesh=mesh,
        compiler_params=pltpu.CompilerParams(use_tc_tiling_on_sc=False),
        out_type=jax.ShapeDtypeStruct((B * S, D), jnp.float32),
        scratch_types=[
            pltpu.VMEM((BPW * S,), jnp.int32),
            [pltpu.VMEM((GI, D), jnp.float32) for _ in range(NGB)],
            pltpu.SemaphoreType.DMA,
            [pltpu.SemaphoreType.DMA for _ in range(NGB)],
        ],
    )
    def k2(idx_hbm, items_hbm, emb_out, idx_v, ebufs, sem, wsems):
        wid = lax.axis_index("s") * NC + lax.axis_index("c")
        base = wid * BPW * S
        pltpu.sync_copy(idx_hbm.at[pl.ds(base, BPW * S)], idx_v)

        def chunk(g4, carry):
            gcopies = []
            for r in range(NGB):
                @pl.when(g4 > 0)
                def _():
                    pltpu.make_async_copy(
                        ebufs[r], emb_out.at[pl.ds(base, GI)], wsems[r]
                    ).wait()
                g = g4 * NGB + r
                gcopies.append(pltpu.async_copy(
                    items_hbm.at[idx_v.at[pl.ds(g * GI, GI)]], ebufs[r], sem,
                ))
            for r in range(NGB):
                g = g4 * NGB + r
                gcopies[r].wait()
                pltpu.async_copy(
                    ebufs[r], emb_out.at[pl.ds(base + g * GI, GI)], wsems[r],
                )
            return carry

        lax.fori_loop(0, NG // NGB, chunk, None)
        for r in range(NGB):
            pltpu.make_async_copy(
                ebufs[r], emb_out.at[pl.ds(base, GI)], wsems[r]
            ).wait()

    return k2(samp_flat, all_items)


BB = 512


def _tc_body(e_ref, samp_ref, uf_ref, pv_ref, wt_ref, bias_ref,
             ht_ref, g_ref, gt_ref, h_ref, feat_ref, idx_ref):
    E = e_ref[...]
    u = jnp.dot(uf_ref[...], wt_ref[...][:2 * D, :],
                preferred_element_type=jnp.float32)
    u = u + pv_ref[...] * wt_ref[...][2 * D:2 * D + 1, :]
    u = u + bias_ref[...]

    urep = jnp.dot(u, ht_ref[...], preferred_element_type=jnp.float32)
    scores = jnp.dot(E * urep, g_ref[...],
                     preferred_element_type=jnp.float32)
    m = jnp.max(scores, axis=1, keepdims=True)
    p = jnp.exp(scores - m)
    p = p / jnp.sum(p, axis=1, keepdims=True)

    prep = jnp.dot(p, gt_ref[...], preferred_element_type=jnp.float32)
    feat_ref[...] = jnp.dot(E * prep, h_ref[...],
                            preferred_element_type=jnp.float32)
    sampf = samp_ref[...][:, :S].astype(jnp.float32)
    idxf = jnp.sum(p * sampf, axis=1, keepdims=True)
    idx_ref[...] = idxf.astype(jnp.int32)


def _tc_compute(E2, samp, union_feature, privacy, Wt, bias):
    k = jnp.arange(S * D)
    HT = (k[None, :] % D == jnp.arange(D)[:, None]).astype(jnp.float32)
    G = (k[:, None] // D == jnp.arange(S)[None, :]).astype(jnp.float32)
    grid = (B // BB,)
    return pl.pallas_call(
        _tc_body,
        grid=grid,
        in_specs=[
            pl.BlockSpec((BB, S * D), lambda i: (i, 0)),
            pl.BlockSpec((BB, SP), lambda i: (i, 0)),
            pl.BlockSpec((BB, 2 * D), lambda i: (i, 0)),
            pl.BlockSpec((BB, 1), lambda i: (i, 0)),
            pl.BlockSpec((2 * D + 1, D), lambda i: (0, 0)),
            pl.BlockSpec((1, D), lambda i: (0, 0)),
            pl.BlockSpec((D, S * D), lambda i: (0, 0)),
            pl.BlockSpec((S * D, S), lambda i: (0, 0)),
            pl.BlockSpec((S, S * D), lambda i: (0, 0)),
            pl.BlockSpec((S * D, D), lambda i: (0, 0)),
        ],
        out_specs=[
            pl.BlockSpec((BB, D), lambda i: (i, 0)),
            pl.BlockSpec((BB, 1), lambda i: (i, 0)),
        ],
        out_shape=[
            jax.ShapeDtypeStruct((B, D), jnp.float32),
            jax.ShapeDtypeStruct((B, 1), jnp.int32),
        ],
    )(E2, samp, union_feature, privacy, Wt, bias, HT, G, G.T, HT.T)


def kernel(need_replace, union_feature, all_items, privacy_settings, user_sample_items, W, b):
    samp_flat = jnp.broadcast_to(need_replace[:, 1], (S, B)).reshape(B * S)
    emb = _sc_emb_gather(samp_flat, all_items)
    return (samp_flat[:B], emb[:B, :], 0.0, 0.0)

# --- scband reference (transcript-rebuilt; emitter-appended) ---
"""Pipeline reference for scband-regular-similar-2886218023070 (READ-ONLY COPY).

The authoritative reference and input builder live on the scoring server;
editing this copy changes nothing except your own understanding.
"""

import jax, jax.numpy as jnp
import numpy as np

NUM_USERS = 100000
NUM_ITEMS = 100000
LATENT_DIM = 64
N_SAMPLES = 50
BATCH = 16384


def setup_inputs(seed: int = 0) -> dict:
    key = jax.random.key(seed)
    k1, k2, k3, k4, k5, k6 = jax.random.split(key, 6)
    need_replace = jax.random.randint(k1, (BATCH, 2), 0, NUM_ITEMS, dtype=jnp.int32)
    union_feature = jax.random.normal(k2, (BATCH, 2 * LATENT_DIM), dtype=jnp.float32)
    all_items = jax.random.normal(k3, (NUM_ITEMS, LATENT_DIM), dtype=jnp.float32)
    privacy_settings = jax.random.uniform(k4, (BATCH,), dtype=jnp.float32)
    # init-arg tensor: per-user sampled candidate items
    user_sample_items = jax.random.randint(k5, (NUM_USERS, N_SAMPLES), 0, NUM_ITEMS, dtype=jnp.int32)
    # Linear(2*latent_dim + 1 -> latent_dim) parameters
    fan_in = 2 * LATENT_DIM + 1
    bound = 1.0 / np.sqrt(fan_in)
    kw, kb = jax.random.split(k6)
    W = jax.random.uniform(kw, (LATENT_DIM, fan_in), minval=-bound, maxval=bound, dtype=jnp.float32)
    b = jax.random.uniform(kb, (LATENT_DIM,), minval=-bound, maxval=bound, dtype=jnp.float32)
    return {
        'need_replace': need_replace,
        'union_feature': union_feature,
        'all_items': all_items,
        'privacy_settings': privacy_settings,
        'user_sample_items': user_sample_items,
        'W': W,
        'b': b,
    }


def reference(need_replace, union_feature, all_items, privacy_settings, user_sample_items, W, b):
    # RegularSimilar.choose_replaceable_item, eval branch (world.is_train = False)
    user_ids = need_replace[:, 0]
    item_ids = need_replace[:, 1]
    items_emb = jnp.take(all_items, item_ids, axis=0)            # [B, d] gather
    sample_items = jnp.take(user_sample_items, user_ids, axis=0)  # [B, S] gather
    sample_items_emb = jnp.take(all_items, sample_items, axis=0)  # [B, S, d] gather
    union = jnp.concatenate([union_feature, privacy_settings.reshape(-1, 1)], axis=-1)
    user_item_feature = union @ W.T + b                           # Linear
    expand_items_emb = user_item_feature.reshape(-1, 1, LATENT_DIM)
    replace_score = jnp.sum(expand_items_emb * sample_items_emb, axis=-1)  # [B, S]
    sample_item_index = jax.nn.softmax(replace_score, axis=1)
    replace_probability = sample_item_index.reshape(-1, sample_item_index.shape[1], 1)
    replaceable_items_feature = jnp.sum(replace_probability * sample_items_emb, axis=1)  # [B, d]
    replaceable_items = jnp.sum(sample_item_index * sample_items.astype(jnp.float32), axis=-1).astype(jnp.int32)
    similarity_loss = 0.0
    similarity = 0.0
    return (replaceable_items, replaceable_items_feature, similarity_loss, similarity)

if __name__ == "__main__":
    import jax
    _d = setup_inputs()
    print(jax.jit(kernel)(*tuple(_d.values())))

</pallas_src>

<mosaic_0001>
#map = affine_map<(d0, d1) -> (0)>
#map1 = affine_map<(d0, d1) -> (0, 0)>
module attributes {stable_mosaic.version = 14 : i64} {
  func.func @k2(%arg0: i32, %arg1: i32, %arg2: memref<819200xi32, #tpu.memory_space<hbm>>, %arg3: memref<100000x64xf32, #tpu.memory_space<hbm>>, %arg4: memref<819200x64xf32, #tpu.memory_space<hbm>>, %arg5: memref<25600xi32, #tpu.memory_space<vmem>>, %arg6: memref<128x64xf32, #tpu.memory_space<vmem>>, %arg7: memref<128x64xf32, #tpu.memory_space<vmem>>, %arg8: memref<128x64xf32, #tpu.memory_space<vmem>>, %arg9: memref<128x64xf32, #tpu.memory_space<vmem>>, %arg10: memref<!tpu.dma_semaphore, #tpu.memory_space<semaphore_mem>>, %arg11: memref<!tpu.dma_semaphore, #tpu.memory_space<semaphore_mem>>, %arg12: memref<!tpu.dma_semaphore, #tpu.memory_space<semaphore_mem>>, %arg13: memref<!tpu.dma_semaphore, #tpu.memory_space<semaphore_mem>>, %arg14: memref<!tpu.dma_semaphore, #tpu.memory_space<semaphore_mem>>) attributes {dimension_semantics = [#tpu.dimension_semantics<core_parallel>, #tpu.dimension_semantics<subcore_parallel>], iteration_bounds = array<i64: 2, 16>, scalar_prefetch = 0 : i64, scratch_operands = 10 : i64, tpu.core_type = #tpu.core_type<sc_vector_subcore>, window_params = [{transform_indices = #map}, {transform_indices = #map1}, {transform_indices = #map1}]} {
    %mul3A = arith.constant 2 : i32
    %mul3A_0 = arith.muli %arg1, %mul3A : i32
    %add3A = arith.addi %mul3A_0, %arg0 : i32
    %mul3A_1 = arith.constant 512 : i32
    %mul3A_2 = arith.muli %add3A, %mul3A_1 : i32
    %mul3A_3 = arith.constant 50 : i32
    %mul3A_4 = arith.muli %mul3A_2, %mul3A_3 : i32
    "tpu.region"() ({
      %run_scoped3A = tpu.sem_alloc : memref<!tpu.dma_semaphore, #tpu.memory_space<semaphore_mem>>
      %dma_start3A = tpu.memref_slice %arg2[%mul3A_4] : memref<819200xi32, #tpu.memory_space<hbm>> -> memref<25600xi32, #tpu.memory_space<hbm>>
      %dma_start3A_24 = tpu.memref_slice %arg2[%mul3A_4] : memref<819200xi32, #tpu.memory_space<hbm>> -> memref<25600xi32, #tpu.memory_space<hbm>>
      tpu.enqueue_dma source(%dma_start3A_24 : memref<25600xi32, #tpu.memory_space<hbm>>) target(%arg5 : memref<25600xi32, #tpu.memory_space<vmem>>) target_semaphore(%run_scoped3A : memref<!tpu.dma_semaphore, #tpu.memory_space<semaphore_mem>>)
      %dma_wait3A_25 = tpu.memref_slice %arg2[%mul3A_4] : memref<819200xi32, #tpu.memory_space<hbm>> -> memref<25600xi32, #tpu.memory_space<hbm>>
      %dma_wait3A_26 = tpu.memref_slice %arg2[%mul3A_4] : memref<819200xi32, #tpu.memory_space<hbm>> -> memref<25600xi32, #tpu.memory_space<hbm>>
      tpu.wait_dma2 semaphore(%run_scoped3A : memref<!tpu.dma_semaphore, #tpu.memory_space<semaphore_mem>>) src(%dma_wait3A_26 : memref<25600xi32, #tpu.memory_space<hbm>>) dst(%arg5 : memref<25600xi32, #tpu.memory_space<vmem>>)
      tpu.yield
    }) : () -> ()
    %scan3A = arith.constant 0 : i32
    %scan3A_5 = arith.constant 50 : i32
    %scan3A_6 = arith.addi %scan3A, %scan3A_5 : i32
    %scan3A_7 = arith.constant 1 : i32
    scf.for %scan3A_24 = %scan3A to %scan3A_6 step %scan3A_7  : i32 {
      %gt3A = arith.constant 0 : i32
      %gt3A_25 = arith.cmpi sgt, %scan3A_24, %gt3A : i32
      %convert_element_type3A = arith.extui %gt3A_25 : i1 to i32
      %cond3A = arith.constant 0 : i32
      %cond3A_26 = arith.cmpi ne, %convert_element_type3A, %cond3A : i32
      scf.if %cond3A_26 {
        %dma_wait3A_141 = arith.constant 0 : i32
        %dma_wait3A_142 = tpu.memref_slice %arg4[%mul3A_4, %dma_wait3A_141] : memref<819200x64xf32, #tpu.memory_space<hbm>> -> memref<128x64xf32, #tpu.memory_space<hbm>>
        %dma_wait3A_143 = arith.constant 0 : i32
        %dma_wait3A_144 = tpu.memref_slice %arg4[%mul3A_4, %dma_wait3A_143] : memref<819200x64xf32, #tpu.memory_space<hbm>> -> memref<128x64xf32, #tpu.memory_space<hbm>>
        tpu.wait_dma2 semaphore(%arg11 : memref<!tpu.dma_semaphore, #tpu.memory_space<semaphore_mem>>) src(%arg6 : memref<128x64xf32, #tpu.memory_space<vmem>>) dst(%dma_wait3A_144 : memref<128x64xf32, #tpu.memory_space<hbm>>)
      } else {
      }
      %mul3A_27 = arith.constant 4 : i32
      %mul3A_28 = arith.muli %scan3A_24, %mul3A_27 : i32
      %add3A_29 = arith.constant 0 : i32
      %add3A_30 = arith.addi %mul3A_28, %add3A_29 : i32
      %mul3A_31 = arith.constant 128 : i32
      %mul3A_32 = arith.muli %add3A_30, %mul3A_31 : i32
      %dma_start3A = tpu.memref_slice %arg5[%mul3A_32] : memref<25600xi32, #tpu.memory_space<vmem>> -> memref<128xi32, #tpu.memory_space<vmem>>
      %dma_start3A_33 = arith.constant 0 : i32
      %dma_start3A_34 = arith.constant 0 : i32
      %dma_start3A_35 = tpu.memref_slice %arg3[%dma_start3A_33, %dma_start3A_34] : memref<100000x64xf32, #tpu.memory_space<hbm>> -> memref<100000x64xf32, #tpu.memory_space<hbm>>
      tpu.enqueue_indirect_dma source(%dma_start3A_35 : memref<100000x64xf32, #tpu.memory_space<hbm>>) target(%arg6 : memref<128x64xf32, #tpu.memory_space<vmem>>) offsets(%dma_start3A : memref<128xi32, #tpu.memory_space<vmem>>) semaphore(%arg10 : memref<!tpu.dma_semaphore, #tpu.memory_space<semaphore_mem>>)
      %gt3A_36 = arith.constant 0 : i32
      %gt3A_37 = arith.cmpi sgt, %scan3A_24, %gt3A_36 : i32
      %convert_element_type3A_38 = arith.extui %gt3A_37 : i1 to i32
      %cond3A_39 = arith.constant 0 : i32
      %cond3A_40 = arith.cmpi ne, %convert_element_type3A_38, %cond3A_39 : i32
      scf.if %cond3A_40 {
        %dma_wait3A_141 = arith.constant 0 : i32
        %dma_wait3A_142 = tpu.memref_slice %arg4[%mul3A_4, %dma_wait3A_141] : memref<819200x64xf32, #tpu.memory_space<hbm>> -> memref<128x64xf32, #tpu.memory_space<hbm>>
        %dma_wait3A_143 = arith.constant 0 : i32
        %dma_wait3A_144 = tpu.memref_slice %arg4[%mul3A_4, %dma_wait3A_143] : memref<819200x64xf32, #tpu.memory_space<hbm>> -> memref<128x64xf32, #tpu.memory_space<hbm>>
        tpu.wait_dma2 semaphore(%arg12 : memref<!tpu.dma_semaphore, #tpu.memory_space<semaphore_mem>>) src(%arg7 : memref<128x64xf32, #tpu.memory_space<vmem>>) dst(%dma_wait3A_144 : memref<128x64xf32, #tpu.memory_space<hbm>>)
      } else {
      }
      %mul3A_41 = arith.constant 4 : i32
      %mul3A_42 = arith.muli %scan3A_24, %mul3A_41 : i32
      %add3A_43 = arith.constant 1 : i32
      %add3A_44 = arith.addi %mul3A_42, %add3A_43 : i32
      %mul3A_45 = arith.constant 128 : i32
      %mul3A_46 = arith.muli %add3A_44, %mul3A_45 : i32
      %dma_start3A_47 = tpu.memref_slice %arg5[%mul3A_46] : memref<25600xi32, #tpu.memory_space<vmem>> -> memref<128xi32, #tpu.memory_space<vmem>>
      %dma_start3A_48 = arith.constant 0 : i32
      %dma_start3A_49 = arith.constant 0 : i32
      %dma_start3A_50 = tpu.memref_slice %arg3[%dma_start3A_48, %dma_start3A_49] : memref<100000x64xf32, #tpu.memory_space<hbm>> -> memref<100000x64xf32, #tpu.memory_space<hbm>>
      tpu.enqueue_indirect_dma source(%dma_start3A_50 : memref<100000x64xf32, #tpu.memory_space<hbm>>) target(%arg7 : memref<128x64xf32, #tpu.memory_space<vmem>>) offsets(%dma_start3A_47 : memref<128xi32, #tpu.memory_space<vmem>>) semaphore(%arg10 : memref<!tpu.dma_semaphore, #tpu.memory_space<semaphore_mem>>)
      %gt3A_51 = arith.constant 0 : i32
      %gt3A_52 = arith.cmpi sgt, %scan3A_24, %gt3A_51 : i32
      %convert_element_type3A_53 = arith.extui %gt3A_52 : i1 to i32
      %cond3A_54 = arith.constant 0 : i32
      %cond3A_55 = arith.cmpi ne, %convert_element_type3A_53, %cond3A_54 : i32
      scf.if %cond3A_55 {
        %dma_wait3A_141 = arith.constant 0 : i32
        %dma_wait3A_142 = tpu.memref_slice %arg4[%mul3A_4, %dma_wait3A_141] : memref<819200x64xf32, #tpu.memory_space<hbm>> -> memref<128x64xf32, #tpu.memory_space<hbm>>
        %dma_wait3A_143 = arith.constant 0 : i32
        %dma_wait3A_144 = tpu.memref_slice %arg4[%mul3A_4, %dma_wait3A_143] : memref<819200x64xf32, #tpu.memory_space<hbm>> -> memref<128x64xf32, #tpu.memory_space<hbm>>
        tpu.wait_dma2 semaphore(%arg13 : memref<!tpu.dma_semaphore, #tpu.memory_space<semaphore_mem>>) src(%arg8 : memref<128x64xf32, #tpu.memory_space<vmem>>) dst(%dma_wait3A_144 : memref<128x64xf32, #tpu.memory_space<hbm>>)
      } else {
      }
      %mul3A_56 = arith.constant 4 : i32
      %mul3A_57 = arith.muli %scan3A_24, %mul3A_56 : i32
      %add3A_58 = arith.constant 2 : i32
      %add3A_59 = arith.addi %mul3A_57, %add3A_58 : i32
      %mul3A_60 = arith.constant 128 : i32
      %mul3A_61 = arith.muli %add3A_59, %mul3A_60 : i32
      %dma_start3A_62 = tpu.memref_slice %arg5[%mul3A_61] : memref<25600xi32, #tpu.memory_space<vmem>> -> memref<128xi32, #tpu.memory_space<vmem>>
      %dma_start3A_63 = arith.constant 0 : i32
      %dma_start3A_64 = arith.constant 0 : i32
      %dma_start3A_65 = tpu.memref_slice %arg3[%dma_start3A_63, %dma_start3A_64] : memref<100000x64xf32, #tpu.memory_space<hbm>> -> memref<100000x64xf32, #tpu.memory_space<hbm>>
      tpu.enqueue_indirect_dma source(%dma_start3A_65 : memref<100000x64xf32, #tpu.memory_space<hbm>>) target(%arg8 : memref<128x64xf32, #tpu.memory_space<vmem>>) offsets(%dma_start3A_62 : memref<128xi32, #tpu.memory_space<vmem>>) semaphore(%arg10 : memref<!tpu.dma_semaphore, #tpu.memory_space<semaphore_mem>>)
      %gt3A_66 = arith.constant 0 : i32
      %gt3A_67 = arith.cmpi sgt, %scan3A_24, %gt3A_66 : i32
      %convert_element_type3A_68 = arith.extui %gt3A_67 : i1 to i32
      %cond3A_69 = arith.constant 0 : i32
      %cond3A_70 = arith.cmpi ne, %convert_element_type3A_68, %cond3A_69 : i32
      scf.if %cond3A_70 {
        %dma_wait3A_141 = arith.constant 0 : i32
        %dma_wait3A_142 = tpu.memref_slice %arg4[%mul3A_4, %dma_wait3A_141] : memref<819200x64xf32, #tpu.memory_space<hbm>> -> memref<128x64xf32, #tpu.memory_space<hbm>>
        %dma_wait3A_143 = arith.constant 0 : i32
        %dma_wait3A_144 = tpu.memref_slice %arg4[%mul3A_4, %dma_wait3A_143] : memref<819200x64xf32, #tpu.memory_space<hbm>> -> memref<128x64xf32, #tpu.memory_space<hbm>>
        tpu.wait_dma2 semaphore(%arg14 : memref<!tpu.dma_semaphore, #tpu.memory_space<semaphore_mem>>) src(%arg9 : memref<128x64xf32, #tpu.memory_space<vmem>>) dst(%dma_wait3A_144 : memref<128x64xf32, #tpu.memory_space<hbm>>)
      } else {
      }
      %mul3A_71 = arith.constant 4 : i32
      %mul3A_72 = arith.muli %scan3A_24, %mul3A_71 : i32
      %add3A_73 = arith.constant 3 : i32
      %add3A_74 = arith.addi %mul3A_72, %add3A_73 : i32
      %mul3A_75 = arith.constant 128 : i32
      %mul3A_76 = arith.muli %add3A_74, %mul3A_75 : i32
      %dma_start3A_77 = tpu.memref_slice %arg5[%mul3A_76] : memref<25600xi32, #tpu.memory_space<vmem>> -> memref<128xi32, #tpu.memory_space<vmem>>
      %dma_start3A_78 = arith.constant 0 : i32
      %dma_start3A_79 = arith.constant 0 : i32
      %dma_start3A_80 = tpu.memref_slice %arg3[%dma_start3A_78, %dma_start3A_79] : memref<100000x64xf32, #tpu.memory_space<hbm>> -> memref<100000x64xf32, #tpu.memory_space<hbm>>
      tpu.enqueue_indirect_dma source(%dma_start3A_80 : memref<100000x64xf32, #tpu.memory_space<hbm>>) target(%arg9 : memref<128x64xf32, #tpu.memory_space<vmem>>) offsets(%dma_start3A_77 : memref<128xi32, #tpu.memory_space<vmem>>) semaphore(%arg10 : memref<!tpu.dma_semaphore, #tpu.memory_space<semaphore_mem>>)
      %mul3A_81 = arith.constant 4 : i32
      %mul3A_82 = arith.muli %scan3A_24, %mul3A_81 : i32
      %add3A_83 = arith.constant 0 : i32
      %add3A_84 = arith.addi %mul3A_82, %add3A_83 : i32
      %dma_wait3A_85 = tpu.memref_slice %arg5[%mul3A_32] : memref<25600xi32, #tpu.memory_space<vmem>> -> memref<128xi32, #tpu.memory_space<vmem>>
      %dma_wait3A_86 = arith.constant 0 : i32
      %dma_wait3A_87 = arith.constant 0 : i32
      %dma_wait3A_88 = tpu.memref_slice %arg3[%dma_wait3A_86, %dma_wait3A_87] : memref<100000x64xf32, #tpu.memory_space<hbm>> -> memref<100000x64xf32, #tpu.memory_space<hbm>>
      tpu.wait_indirect_dma semaphore(%arg10 : memref<!tpu.dma_semaphore, #tpu.memory_space<semaphore_mem>>) src(%dma_wait3A_88 : memref<100000x64xf32, #tpu.memory_space<hbm>>) dst(%arg6 : memref<128x64xf32, #tpu.memory_space<vmem>>)
      %mul3A_89 = arith.constant 128 : i32
      %mul3A_90 = arith.muli %add3A_84, %mul3A_89 : i32
      %add3A_91 = arith.addi %mul3A_4, %mul3A_90 : i32
      %dma_start3A_92 = arith.constant 0 : i32
      %dma_start3A_93 = tpu.memref_slice %arg4[%add3A_91, %dma_start3A_92] : memref<819200x64xf32, #tpu.memory_space<hbm>> -> memref<128x64xf32, #tpu.memory_space<hbm>>
      %dma_start3A_94 = arith.constant 0 : i32
      %dma_start3A_95 = tpu.memref_slice %arg4[%add3A_91, %dma_start3A_94] : memref<819200x64xf32, #tpu.memory_space<hbm>> -> memref<128x64xf32, #tpu.memory_space<hbm>>
      tpu.enqueue_dma source(%arg6 : memref<128x64xf32, #tpu.memory_space<vmem>>) target(%dma_start3A_95 : memref<128x64xf32, #tpu.memory_space<hbm>>) target_semaphore(%arg11 : memref<!tpu.dma_semaphore, #tpu.memory_space<semaphore_mem>>)
      %mul3A_96 = arith.constant 4 : i32
      %mul3A_97 = arith.muli %scan3A_24, %mul3A_96 : i32
      %add3A_98 = arith.constant 1 : i32
      %add3A_99 = arith.addi %mul3A_97, %add3A_98 : i32
      %dma_wait3A_100 = tpu.memref_slice %arg5[%mul3A_46] : memref<25600xi32, #tpu.memory_space<vmem>> -> memref<128xi32, #tpu.memory_space<vmem>>
      %dma_wait3A_101 = arith.constant 0 : i32
      %dma_wait3A_102 = arith.constant 0 : i32
      %dma_wait3A_103 = tpu.memref_slice %arg3[%dma_wait3A_101, %dma_wait3A_102] : memref<100000x64xf32, #tpu.memory_space<hbm>> -> memref<100000x64xf32, #tpu.memory_space<hbm>>
      tpu.wait_indirect_dma semaphore(%arg10 : memref<!tpu.dma_semaphore, #tpu.memory_space<semaphore_mem>>) src(%dma_wait3A_103 : memref<100000x64xf32, #tpu.memory_space<hbm>>) dst(%arg7 : memref<128x64xf32, #tpu.memory_space<vmem>>)
      %mul3A_104 = arith.constant 128 : i32
      %mul3A_105 = arith.muli %add3A_99, %mul3A_104 : i32
      %add3A_106 = arith.addi %mul3A_4, %mul3A_105 : i32
      %dma_start3A_107 = arith.constant 0 : i32
      %dma_start3A_108 = tpu.memref_slice %arg4[%add3A_106, %dma_start3A_107] : memref<819200x64xf32, #tpu.memory_space<hbm>> -> memref<128x64xf32, #tpu.memory_space<hbm>>
      %dma_start3A_109 = arith.constant 0 : i32
      %dma_start3A_110 = tpu.memref_slice %arg4[%add3A_106, %dma_start3A_109] : memref<819200x64xf32, #tpu.memory_space<hbm>> -> memref<128x64xf32, #tpu.memory_space<hbm>>
      tpu.enqueue_dma source(%arg7 : memref<128x64xf32, #tpu.memory_space<vmem>>) target(%dma_start3A_110 : memref<128x64xf32, #tpu.memory_space<hbm>>) target_semaphore(%arg12 : memref<!tpu.dma_semaphore, #tpu.memory_space<semaphore_mem>>)
      %mul3A_111 = arith.constant 4 : i32
      %mul3A_112 = arith.muli %scan3A_24, %mul3A_111 : i32
      %add3A_113 = arith.constant 2 : i32
      %add3A_114 = arith.addi %mul3A_112, %add3A_113 : i32
      %dma_wait3A_115 = tpu.memref_slice %arg5[%mul3A_61] : memref<25600xi32, #tpu.memory_space<vmem>> -> memref<128xi32, #tpu.memory_space<vmem>>
      %dma_wait3A_116 = arith.constant 0 : i32
      %dma_wait3A_117 = arith.constant 0 : i32
      %dma_wait3A_118 = tpu.memref_slice %arg3[%dma_wait3A_116, %dma_wait3A_117] : memref<100000x64xf32, #tpu.memory_space<hbm>> -> memref<100000x64xf32, #tpu.memory_space<hbm>>
      tpu.wait_indirect_dma semaphore(%arg10 : memref<!tpu.dma_semaphore, #tpu.memory_space<semaphore_mem>>) src(%dma_wait3A_118 : memref<100000x64xf32, #tpu.memory_space<hbm>>) dst(%arg8 : memref<128x64xf32, #tpu.memory_space<vmem>>)
      %mul3A_119 = arith.constant 128 : i32
      %mul3A_120 = arith.muli %add3A_114, %mul3A_119 : i32
      %add3A_121 = arith.addi %mul3A_4, %mul3A_120 : i32
      %dma_start3A_122 = arith.constant 0 : i32
      %dma_start3A_123 = tpu.memref_slice %arg4[%add3A_121, %dma_start3A_122] : memref<819200x64xf32, #tpu.memory_space<hbm>> -> memref<128x64xf32, #tpu.memory_space<hbm>>
      %dma_start3A_124 = arith.constant 0 : i32
      %dma_start3A_125 = tpu.memref_slice %arg4[%add3A_121, %dma_start3A_124] : memref<819200x64xf32, #tpu.memory_space<hbm>> -> memref<128x64xf32, #tpu.memory_space<hbm>>
      tpu.enqueue_dma source(%arg8 : memref<128x64xf32, #tpu.memory_space<vmem>>) target(%dma_start3A_125 : memref<128x64xf32, #tpu.memory_space<hbm>>) target_semaphore(%arg13 : memref<!tpu.dma_semaphore, #tpu.memory_space<semaphore_mem>>)
      %mul3A_126 = arith.constant 4 : i32
      %mul3A_127 = arith.muli %scan3A_24, %mul3A_126 : i32
      %add3A_128 = arith.constant 3 : i32
      %add3A_129 = arith.addi %mul3A_127, %add3A_128 : i32
      %dma_wait3A_130 = tpu.memref_slice %arg5[%mul3A_76] : memref<25600xi32, #tpu.memory_space<vmem>> -> memref<128xi32, #tpu.memory_space<vmem>>
      %dma_wait3A_131 = arith.constant 0 : i32
      %dma_wait3A_132 = arith.constant 0 : i32
      %dma_wait3A_133 = tpu.memref_slice %arg3[%dma_wait3A_131, %dma_wait3A_132] : memref<100000x64xf32, #tpu.memory_space<hbm>> -> memref<100000x64xf32, #tpu.memory_space<hbm>>
      tpu.wait_indirect_dma semaphore(%arg10 : memref<!tpu.dma_semaphore, #tpu.memory_space<semaphore_mem>>) src(%dma_wait3A_133 : memref<100000x64xf32, #tpu.memory_space<hbm>>) dst(%arg9 : memref<128x64xf32, #tpu.memory_space<vmem>>)
      %mul3A_134 = arith.constant 128 : i32
      %mul3A_135 = arith.muli %add3A_129, %mul3A_134 : i32
      %add3A_136 = arith.addi %mul3A_4, %mul3A_135 : i32
      %dma_start3A_137 = arith.constant 0 : i32
      %dma_start3A_138 = tpu.memref_slice %arg4[%add3A_136, %dma_start3A_137] : memref<819200x64xf32, #tpu.memory_space<hbm>> -> memref<128x64xf32, #tpu.memory_space<hbm>>
      %dma_start3A_139 = arith.constant 0 : i32
      %dma_start3A_140 = tpu.memref_slice %arg4[%add3A_136, %dma_start3A_139] : memref<819200x64xf32, #tpu.memory_space<hbm>> -> memref<128x64xf32, #tpu.memory_space<hbm>>
      tpu.enqueue_dma source(%arg9 : memref<128x64xf32, #tpu.memory_space<vmem>>) target(%dma_start3A_140 : memref<128x64xf32, #tpu.memory_space<hbm>>) target_semaphore(%arg14 : memref<!tpu.dma_semaphore, #tpu.memory_space<semaphore_mem>>)
    }
    %scan3A_8 = arith.constant 50 : i32
    %dma_wait3A = arith.constant 0 : i32
    %dma_wait3A_9 = tpu.memref_slice %arg4[%mul3A_4, %dma_wait3A] : memref<819200x64xf32, #tpu.memory_space<hbm>> -> memref<128x64xf32, #tpu.memory_space<hbm>>
    %dma_wait3A_10 = arith.constant 0 : i32
    %dma_wait3A_11 = tpu.memref_slice %arg4[%mul3A_4, %dma_wait3A_10] : memref<819200x64xf32, #tpu.memory_space<hbm>> -> memref<128x64xf32, #tpu.memory_space<hbm>>
    tpu.wait_dma2 semaphore(%arg11 : memref<!tpu.dma_semaphore, #tpu.memory_space<semaphore_mem>>) src(%arg6 : memref<128x64xf32, #tpu.memory_space<vmem>>) dst(%dma_wait3A_11 : memref<128x64xf32, #tpu.memory_space<hbm>>)
    %dma_wait3A_12 = arith.constant 0 : i32
    %dma_wait3A_13 = tpu.memref_slice %arg4[%mul3A_4, %dma_wait3A_12] : memref<819200x64xf32, #tpu.memory_space<hbm>> -> memref<128x64xf32, #tpu.memory_space<hbm>>
    %dma_wait3A_14 = arith.constant 0 : i32
    %dma_wait3A_15 = tpu.memref_slice %arg4[%mul3A_4, %dma_wait3A_14] : memref<819200x64xf32, #tpu.memory_space<hbm>> -> memref<128x64xf32, #tpu.memory_space<hbm>>
    tpu.wait_dma2 semaphore(%arg12 : memref<!tpu.dma_semaphore, #tpu.memory_space<semaphore_mem>>) src(%arg7 : memref<128x64xf32, #tpu.memory_space<vmem>>) dst(%dma_wait3A_15 : memref<128x64xf32, #tpu.memory_space<hbm>>)
    %dma_wait3A_16 = arith.constant 0 : i32
    %dma_wait3A_17 = tpu.memref_slice %arg4[%mul3A_4, %dma_wait3A_16] : memref<819200x64xf32, #tpu.memory_space<hbm>> -> memref<128x64xf32, #tpu.memory_space<hbm>>
    %dma_wait3A_18 = arith.constant 0 : i32
    %dma_wait3A_19 = tpu.memref_slice %arg4[%mul3A_4, %dma_wait3A_18] : memref<819200x64xf32, #tpu.memory_space<hbm>> -> memref<128x64xf32, #tpu.memory_space<hbm>>
    tpu.wait_dma2 semaphore(%arg13 : memref<!tpu.dma_semaphore, #tpu.memory_space<semaphore_mem>>) src(%arg8 : memref<128x64xf32, #tpu.memory_space<vmem>>) dst(%dma_wait3A_19 : memref<128x64xf32, #tpu.memory_space<hbm>>)
    %dma_wait3A_20 = arith.constant 0 : i32
    %dma_wait3A_21 = tpu.memref_slice %arg4[%mul3A_4, %dma_wait3A_20] : memref<819200x64xf32, #tpu.memory_space<hbm>> -> memref<128x64xf32, #tpu.memory_space<hbm>>
    %dma_wait3A_22 = arith.constant 0 : i32
    %dma_wait3A_23 = tpu.memref_slice %arg4[%mul3A_4, %dma_wait3A_22] : memref<819200x64xf32, #tpu.memory_space<hbm>> -> memref<128x64xf32, #tpu.memory_space<hbm>>
    tpu.wait_dma2 semaphore(%arg14 : memref<!tpu.dma_semaphore, #tpu.memory_space<semaphore_mem>>) src(%arg9 : memref<128x64xf32, #tpu.memory_space<vmem>>) dst(%dma_wait3A_23 : memref<128x64xf32, #tpu.memory_space<hbm>>)
    return
  }
}

</mosaic_0001>

<sc_bundles>
// kernel: kernel.3.cloned.1.call-start
scs
__scs_entry_jumppad:
0x0: {  	(pc) =	sbr.rel $0x88, $3  }
0x1: {  	(tag) =	ssettag $0x0;
	lr =	simm.s32 $0x1  }
0x2: {  	[smem:$0x3F9F] =	sst lr;
	_ =	strace $0xD0000000  }
0x3: {  	_ = 	snop  }
0x4: {  	_ = 	snop  }
0x5: {  	_ = 	snop  }
0x6: {  	_ = 	snop  }
0x7: {  	_ = 	snop  }
__scs_overlays_trampoline_lowered:
0x8: {  	[smem:$0x3FAE] =	sst s0  }
0x9: {  	[smem:$0x3FAF] =	sst s1  }
0xa: {  	[smem:$0x3FB0] =	sst s2  }
0xb: {  	[smem:$0x3FB1] =	sst s3  }
0xc: {  	[smem:$0x3FB2] =	sst s4  }
0xd: {  	[smem:$0x3FB3] =	sst s5  }
0xe: {  	[smem:$0x3FB4] =	sst s6  }
0xf: {  	[smem:$0x3FB5] =	sst s7  }
0x10: {  	[smem:$0x3FB6] =	sst s8  }
0x11: {  	[smem:$0x3FB7] =	sst s9;
	s0 =	simm.s32 @!p0 $0x0  }
0x12: {  	s1 =	sld [smem:$0x3F9D];
	s0 =	simm.s32 @p0 $0x1  }
0x13: {  	[smem:$0x3FB8] =	sst s0;
	s0 =	simm.s32 @!p1 $0x0  }
0x14: {  	s2 =	sld [smem:$0x3F9C];
	s0 =	simm.s32 @p1 $0x1  }
0x15: {  	[smem:$0x3FB9] =	sst s0;
	s0 =	simm.s32 @!p2 $0x0  }
0x16: {  	s3 =	sld [smem:$0x3FDB];
	s0 =	simm.s32 @p2 $0x1  }
0x17: {  	s4 =	simm.s32 $0x1BF5;
	[smem:$0x3FBB] =	sst s0  }
0x18: {  	s0 =	sld [smem:$0x3F9E];
	_ =	swait.ge [sflag:s4], $0x0  }
0x19: {  	s7 =	sld [smem:$0x3F9F]  }
0x1a: {  	s8 =	sadd.s32 $0xFFFFE003, lr  }
0x1b: {  	s9 =	sadd.s32 $0xFFFFFEF7, lr;
	s5 =	simm.s32 $0xFFFFFFFF;
	p2 =	slt.u32 s8, $0xFFFFF086  }
0x1c: {  	p1 =	slt.u32 s9, $0xF7A;
	s5 =	simm.s32 @!p2 $0x0  }
0x1d: {  	s5 =	simm.s32 @p1 $0x1;
	p0 =	seq.s32 s7, s2  }
0x1e: {  	s7 =	smul.u32 @!p0 $0xF7A, s2;
	p2 =	seq.s32 @!p0 s5, $0x0  }
0x1f: {  	s9 =	smul.u32 $0xF7A, s1;
	s8 =	simm.s32 @!p0 $0x1BF5;
	p2 =	por !p2, p0  }
0x20: {  	[sflag:s8] =	ssyncset.s32 @!p0 $0xFFFFF086;
	s6 =	sadd.s32 @!p0 s3, s7;
	s7 =	simm.s32 @!p0 $0x108  }
0x21: {  	s3 =	sadd.s32 s3, s9;
	s6 =	sadd.s32 @!p0 $0x88, s6;
	s7 =	simm.s32 @p2 $0x1082  }
0x22: {  	[simem:s7], [sflag:s8] =	dma.local @!p0 [hbm:s6], $0xF7A  }
0x23: {  	s9 =	sor.u32 $0xD0000000, s2;
	s6 =	simm.s32 $0x108;
	_ =	swait.ge @!p0 [sflag:s8], $0x0  }
0x24: {  	s3 =	sadd.s32 $0x88, s3;
	s6 =	simm.s32 @!p1 $0x1082;
	[sflag:s4] =	ssyncset.s32 $0xFFFFF086  }
0x25: {  	[simem:s6], [sflag:s4] =	dma.local [hbm:s3], $0xF7A  }
0x26: {  	[smem:$0x3F9F] =	sst s1;
	(tag) =	ssettag s2;
	_ =	strace s9  }
0x27: {  	s1 =	sld [smem:$0x3FAF]  }
0x28: {  	s2 =	sld [smem:$0x3FB0]  }
0x29: {  	s4 =	sld [smem:$0x3FB2]  }
0x2a: {  	p0 =	seq.s32 s5, $0x0;
	s5 =	sld [smem:$0x3FB3]  }
0x2b: {  	s6 =	sld [smem:$0x3FB4]  }
0x2c: {  	s7 =	sld [smem:$0x3FB5]  }
0x2d: {  	s3 =	simm.s32 $0x108;
	s8 =	sld [smem:$0x3FB6]  }
0x2e: {  	s3 =	simm.s32 @!p0 $0x1082;
	s9 =	sld [smem:$0x3FB7]  }
0x2f: {  	lr =	sadd.s32 s0, s3;
	s0 =	sld [smem:$0x3FAE]  }
0x30: {  	s3 =	sld [smem:$0x3FB1]  }
0x31: {  	[smem:$0x3FBA] =	sst s10  }
0x32: {  	s10 =	sld [smem:$0x3FB8];
	_ =	sdelay $0x3  }
0x33: {  	p0 =	seq.s32 s10, $0x1;
	s10 =	sld [smem:$0x3FBA];
	_ =	sdelay $0x3  }
0x34: {  	[smem:$0x3FBA] =	sst s10  }
0x35: {  	s10 =	sld [smem:$0x3FB9];
	_ =	sdelay $0x3  }
0x36: {  	p1 =	seq.s32 s10, $0x1;
	s10 =	sld [smem:$0x3FBA];
	_ =	sdelay $0x3  }
0x37: {  	[smem:$0x3FBA] =	sst s10  }
0x38: {  	s10 =	sld [smem:$0x3FBB]  }
0x39: {  	_ = 	snop;
	(pc) =	sbr.ind lr, $3  }
0x3a: {  	_ = 	snop  }
0x3b: {  	_ = 	snop  }
0x3c: {  	p2 =	seq.s32 s10, $0x1;
	s10 =	sld [smem:$0x3FBA]  }
0x3d: {  	_ =	shalt  }
0x3e: {  	_ =	shalt  }
0x3f: {  	_ =	shalt  }
0x40: {  	_ =	shalt  }
0x41: {  	_ =	shalt  }
0x42: {  	_ =	shalt  }
0x43: {  	_ =	shalt  }
0x44: {  	_ =	shalt  }
0x45: {  	_ =	shalt  }
0x46: {  	_ =	shalt  }
0x47: {  	_ =	shalt  }
0x48: {  	_ =	shalt  }
0x49: {  	_ =	shalt  }
0x4a: {  	_ =	shalt  }
0x4b: {  	_ =	shalt  }
0x4c: {  	_ =	shalt  }
0x4d: {  	_ =	shalt  }
0x4e: {  	_ =	shalt  }
0x4f: {  	_ =	shalt  }
0x50: {  	_ =	shalt  }
0x51: {  	_ =	shalt  }
0x52: {  	_ =	shalt  }
0x53: {  	_ =	shalt  }
0x54: {  	_ =	shalt  }
0x55: {  	_ =	shalt  }
0x56: {  	_ =	shalt  }
0x57: {  	_ =	shalt  }
0x58: {  	_ =	shalt  }
0x59: {  	_ =	shalt  }
0x5a: {  	_ =	shalt  }
0x5b: {  	_ =	shalt  }
0x5c: {  	_ =	shalt  }
0x5d: {  	_ =	shalt  }
0x5e: {  	_ =	shalt  }
0x5f: {  	_ =	shalt  }
0x60: {  	_ =	shalt  }
0x61: {  	_ =	shalt  }
0x62: {  	_ =	shalt  }
0x63: {  	_ =	shalt  }
0x64: {  	_ =	shalt  }
0x65: {  	_ =	shalt  }
0x66: {  	_ =	shalt  }
0x67: {  	_ =	shalt  }
0x68: {  	_ =	shalt  }
0x69: {  	_ =	shalt  }
0x6a: {  	_ =	shalt  }
0x6b: {  	_ =	shalt  }
0x6c: {  	_ =	shalt  }
0x6d: {  	_ =	shalt  }
0x6e: {  	_ =	shalt  }
0x6f: {  	_ =	shalt  }
0x70: {  	_ =	shalt  }
0x71: {  	_ =	shalt  }
0x72: {  	_ =	shalt  }
0x73: {  	_ =	shalt  }
0x74: {  	_ =	shalt  }
0x75: {  	_ =	shalt  }
0x76: {  	_ =	shalt  }
0x77: {  	_ =	shalt  }
0x78: {  	_ =	shalt  }
0x79: {  	_ =	shalt  }
0x7a: {  	_ =	shalt  }
0x7b: {  	_ =	shalt  }
0x7c: {  	_ =	shalt  }
0x7d: {  	_ =	shalt  }
0x7e: {  	_ =	shalt  }
0x7f: {  	_ =	shalt  }
0x80: {  	_ =	shalt  }
0x81: {  	_ =	shalt  }
0x82: {  	_ =	shalt  }
0x83: {  	_ =	shalt  }
0x84: {  	_ =	shalt  }
0x85: {  	_ =	shalt  }
0x86: {  	_ =	shalt  }
0x87: {  	_ =	shalt  }
.Lfunc_end0:
.L_simem_size_0:
called_computation_lowered:
.L_overlay_start_0:
0x88: {  	s2 =	sld [smem:$0x3FD9]  }
0x89: {  	s3 =	sld [smem:$0x3FFE];
	_ =	sdelay $0x1  }
0x8a: {  	s1 =	srdreg.scid  }
0x8b: {  	s0 =	sand.u32 $0x1, s1  }
0x8c: {  	s14 =	sshll.u32 s0, $0xA;
	s2 =	sadd.s32 s3, s2  }
0x8d: {  	s2 =	sadd.s32 s2, s14  }
0x8e: {  	[smem:$0x3FC6] =	sst s2  }
0x8f: {  	_ = 	snop  }
0x90: {  	s2 =	sld [smem:$0x3FD0];
	_ =	sdelay $0x2  }
0x91: {  	s15 =	simm.s32 $0xA;
	s4 =	simm.s32 $0x10  }
0x92: {  	[smem:s4], [sflag:s15] =	dma.local [hbm:s2], $0x1  }
0x93: {  	_ =	swait.eq [sflag:s15], $0x1  }
0x94: {  	[sflag:s15] =	ssyncset.done $0x0  }
0x95: {  	[sflag:s15] =	ssyncadd.s32 $0xFFFFFFFF  }
0x96: {  	s16 =	sld [smem:$0x11];
	(tm) =	ssettm $0x1  }
0x97: {  	s17 =	sld [smem:$0x3FFB];
	_ =	sdelay $0x3  }
0x98: {  	_ =	strace s17  }
0x99: {  	s3 =	sld [smem:$0x3FFC];
	_ =	sdelay $0x3  }
0x9a: {  	_ =	strace s3  }
0x9b: {  	s3 =	sld [smem:$0x3FFD];
	_ =	sdelay $0x3  }
0x9c: {  	_ =	strace s3  }
0x9d: {  	_ =	strace $0x8FFFFFFF  }
0x9e: {  	s18 =	sld [smem:$0x3FDB];
	_ =	sdelay $0x1  }
0x9f: {  	s19 =	simm.s32 $_scs_section_size  }
0xa0: {  	s5 =	simm.s32 $_size__tile_overlayer_lowered;
	s6 =	simm.s32 $_tile_overlayer_lowered  }
0xa1: {  	s22 =	simm.s32 $0x1BFF;
	s21 =	sshll.u32 s6, $0x1;
	s3 =	sadd.s32 s19, s18  }
0xa2: {  	s7 =	simm.s32 $0x0;
	s20 =	sshll.u32 s5, $0x1;
	s5 =	sadd.s32 s21, s3  }
0xa3: {  	[timem:s7], [sflag:s22] =	dma.local [hbm:s5], s20  }
0xa4: {  	_ =	swait.ge [sflag:s22], s20  }
0xa5: {  	s4 =	ssub.s32 $0x0, s20;
	[sflag:s22] =	ssyncset.done $0x0  }
0xa6: {  	[sflag:s22] =	ssyncadd.s32 s4;
	_ =	sdelay $0x1  }
0xa7: {  	s23 =	simm.s32 $0x1B8B  }
0xa8: {  	_ =	swait.ge [sflag:s23], $0x1  }
0xa9: {  	[sflag:s23] =	ssyncset.done $0x0  }
0xaa: {  	s25 =	simm.s32 $0x1B8E;
	s24 =	sld [smem:$0x3FFE];
	[sflag:s23] =	ssyncadd.s32 $0xFFFFFFFF  }
0xab: {  	s26 =	simm.s32 $execute0_lowered;
	[smem:$0x3FD2] =	sst s25  }
0xac: {  	s5 =	sshll.u32 s26, $0x1;
	_ =	strace $0x80000046;
	[dreg:$0x1] =	wrdreg $0xFFFFFFFF  }
0xad: {  	s28 =	simm.s32 $_size_execute0_lowered;
	s3 =	sadd.s32 s3, s5;
	[dreg:$0x0] =	wrdreg $0x0  }
0xae: {  	s5 =	sshll.u32 s28, $0x1;
	[dreg:$0x2] =	wrdreg s3  }
0xaf: {  	[dreg:$0x3] =	wrdreg s5  }
0xb0: {  	[dreg:$0x4] =	wrdreg $0xC0  }
0xb1: {  	_ =	task [dreg:s7], $0x5FFFF  }
0xb2: {  	[dreg:$0x1] =	wrdreg $0xFFFFFFFF  }
0xb3: {  	[dreg:$0x0] =	wrdreg $0x60  }
0xb4: {  	[dreg:$0x2] =	wrdreg s16  }
0xb5: {  	[dreg:$0x3] =	wrdreg s24  }
0xb6: {  	[dreg:$0x4] =	wrdreg $0x9  }
0xb7: {  	_ =	task.clear_ibuf [dreg:s7], $0x5FFFF;
	_ =	strace $0x90000046  }
0xb8: {  	s29 =	simm.s32 $0x9;
	_ =	strace $0x80000048  }
0xb9: {  	_ =	swait.ge [sflag:s29], $0x1  }
0xba: {  	[sflag:s29] =	ssyncadd.s32 $0xFFFFFFFF  }
0xbb: {  	_ =	strace $0x90000048  }
0xbc: {  	_ =	sfence  }
0xbd: {  	s30 =	sld [smem:$0x0];
	_ =	sdelay $0x2  }
0xbe: {  	s31 =	sshll.u32 s1, $0xD;
	s1 =	sshrl.u32 s1, $0x2  }
0xbf: {  	s3 =	sand.u32 $0x4000, s31;
	s1 =	sadd.s32 s1, s30  }
0xc0: {  	s0 =	sor.u32 s3, s0;
	s1 =	sshll.u32 s1, $0x11  }
0xc1: {  	s0 =	sor.u32 s1, s0  }
0xc2: {  	s0 =	sadd.s32 $0x8F2B, s0  }
0xc3: {  	[sflag:s0] =	ssyncadd.remote.s32 $0x1  }
0xc4: {  	_ =	sfence.sel $0xFFFF  }
0xc5: {  	[dreg:$0x0] =	wrdreg $0xFFFFFFFF;
	(pc) =	sbr.abs _section_cstart, $3  }
0xc6: {  	[dreg:$0x1] =	wrdreg $0xFFFFFFFF  }
0xc7: {  	_ =	task.clear_ibuf [dreg:s7], $0x2FFFF;
	_ =	strace $0x9FFFFFFF  }
0xc8: {  	(tm) =	ssettm $0x7FFFFFFF  }
0xc9: {  	_ =	shalt  }
tec
execute0_lowered:
.L_overlay_start_1:
0x0: {  	(tag) =	ssettag $0x1  }
0x1: {  	s6 =	rddreg [dreg:$0x0]  }
0x2: {  	s1 =	srdreg.scid;
	s0 =	stileid.u32  }
0x3: {  	s5 =	rddreg [dreg:$0x1];
	s2 =	simm.s32 $0x0;
	s9 =	simm.s32 $0x80  }
0x4: {  	s10 =	simm.s32 $0x6400;
	s11 =	simm.s32 $0x8400;
	s31 =	simm.s32 $0xA400  }
0x5: {  	s12 =	simm.s32 $0x3;
	s3 =	sand.u32 $0x1, s1;
	s1 =	rddreg [dreg:$0x2]  }
0x6: {  	s13 =	simm.s32 $0x4;
	s14 =	simm.s32 $0x5;
	[smem:$0x7FF] =	sst s2  }
0x7: {  	s4 =	sshll.u32 s0, $0x1;
	_ =	strace $0x80000047;
	[dreg:$0x3] =	wrdreg s9  }
0x8: {  	s15 =	simm.s32 $0x0;
	s4 =	sor.u32 s3, s4;
	[dreg:$0x4] =	wrdreg s10  }
0x9: {  	s7 =	ssub.s32 $0x2, s3;
	s9 =	simm.s32 $0xC400;
	[dreg:$0x5] =	wrdreg s11  }
0xa: {  	s10 =	simm.s32 $0x1;
	[dreg:$0x6] =	wrdreg s31;
	s3 =	smul.u32 $0x6400, s4  }
0xb: {  	s11 =	simm.s32 $0x2;
	s4 =	sadd.s32 $0x187000, s5;
	s8 =	sshrl.u32 s7, $0x1  }
0xc: {  	s5 =	sadd.s32 $0x24A600, s5;
	s7 =	ssub.s32 s7, s8;
	s30 =	sshrl.u32 s3, $0x3  }
0xd: {  	s8 =	simm.s32 $0x6;
	s7 =	smax.u32 s7, $0x1;
	s6 =	sadd.s32 s6, s30  }
.LBB2_1:
0xe: {  	[tilespmem:s2], [sflag:$0x6] =	stream.linear.gather [hbm4b:s6+s2], $0x6400, $0x38;
	[tilespmem:$0xE400] =	vst v63  }
0xf: {  	_ =	swait.ge [sflag:s8], $0x6400  }
0x10: {  	p0 =	por $0x0, $0x0;
	[sflag:s8] =	ssyncset.done $0x0  }
0x11: {  	s16 =	simm.s32 @p0 $0x2;
	[sflag:s8] =	ssyncadd.s32 $0xFFFF9C00  }
0x12: {  	_ =	swait.ge @p0 [sflag:s16], $0x2000  }
0x13: {  	s17 =	simm.s32 @p0 $0x0;
	s18 =	simm.s32 @p0 $0x80;
	[sflag:s16] =	ssyncset.done @p0 $0x0  }
0x14: {  	s19 =	simm.s32 @p0 $0x3;
	[sflag:s16] =	ssyncadd.s32 @p0 $0xFFFFE000;
	s16 =	simm.s32 @p0 $0x6400  }
0x15: {  	[tilespmem:s16], [sflag:$0x1] =	stream.indirect.gather @p0 [hbm4b:s4+s18], $0x40, s17, s18, $0xb8;
	[tilespmem:$0xE400] =	vst v63  }
0x16: {  	_ =	swait.ge @p0 [sflag:s19], $0x2000  }
0x17: {  	s16 =	simm.s32 @p0 $0x80;
	[sflag:s19] =	ssyncset.done @p0 $0x0  }
0x18: {  	s17 =	simm.s32 @p0 $0x8400;
	[sflag:s19] =	ssyncadd.s32 @p0 $0xFFFFE000;
	s19 =	simm.s32 @p0 $0x4  }
0x19: {  	[tilespmem:s17], [sflag:$0x1] =	stream.indirect.gather @p0 [hbm4b:s4+s18], $0x40, s16, s18, $0xb8;
	[tilespmem:$0xE400] =	vst v63  }
0x1a: {  	_ =	swait.ge @p0 [sflag:s19], $0x2000  }
0x1b: {  	s20 =	simm.s32 @p0 $0x5;
	s16 =	simm.s32 $0x100;
	[sflag:s19] =	ssyncset.done @p0 $0x0  }
0x1c: {  	s17 =	simm.s32 @p0 $0xA400;
	[sflag:s19] =	ssyncadd.s32 @p0 $0xFFFFE000;
	s19 =	simm.s32 @!p0 $0x6400  }
0x1d: {  	[tilespmem:s17], [sflag:$0x1] =	stream.indirect.gather @p0 [hbm4b:s4+s18], $0x40, s16, s18, $0xb8;
	[tilespmem:$0xE400] =	vst v63  }
0x1e: {  	s16 =	simm.s32 @p0 $0x0;
	s17 =	simm.s32 @!p0 $0x80;
	_ =	swait.ge @p0 [sflag:s20], $0x2000  }
0x1f: {  	s18 =	simm.s32 @!p0 $0x0;
	s16 =	simm.s32 @!p0 $0x0;
	[sflag:s20] =	ssyncset.done @p0 $0x0  }
0x20: {  	s25 =	sor.u32 $0x180, s16;
	s16 =	sadd.s32 s3, s16;
	[sflag:s20] =	ssyncadd.s32 @p0 $0xFFFFE000  }
0x21: {  	[tilespmem:s19], [sflag:$0x1] =	stream.indirect.gather @!p0 [hbm4b:s4+s17], $0x40, s18, s17, $0xb8;
	[tilespmem:$0xE400] =	vst v63  }
0x22: {  	s24 =	rddreg [dreg:$0x3];
	s16 =	sshll.u32 s16, $0x3;
	s18 =	simm.s32 @!p0 $0x8400  }
0x23: {  	[tilespmem:s18], [sflag:$0x1] =	stream.indirect.gather @!p0 [hbm4b:s4+s17], $0x40, s17, s17, $0xb8;
	[tilespmem:$0xE400] =	vst v63  }
0x24: {  	s19 =	simm.s32 @!p0 $0xA400;
	s16 =	sand.u32 $0x1FFFF000, s16;
	s18 =	simm.s32 @!p0 $0x100  }
0x25: {  	[tilespmem:s19], [sflag:$0x1] =	stream.indirect.gather @!p0 [hbm4b:s4+s17], $0x40, s18, s17, $0xb8;
	[tilespmem:$0xE400] =	vst v63  }
0x26: {  	s16 =	sadd.s32 s5, s16;
	s19 =	simm.s32 @p0 $0x80;
	s17 =	sadd.s32 s3, s25  }
0x27: {  	[tilespmem:s9], [sflag:$0x1] =	stream.indirect.gather [hbm4b:s4+s24], $0x40, s25, s24, $0xb8;
	[tilespmem:$0xE400] =	vst v63  }
0x28: {  	s18 =	simm.s32 $0x500;
	s19 =	simm.s32 @!p0 $0x80;
	_ =	swait.ge [sflag:s10], $0x2000  }
0x29: {  	s17 =	sshll.u32 s17, $0x3;
	s28 =	sadd.s32 s3, s19;
	[sflag:s10] =	ssyncset.done $0x0  }
0x2a: {  	s19 =	simm.s32 $0x100;
	s26 =	rddreg [dreg:$0x4];
	[sflag:s10] =	ssyncadd.s32 $0xFFFFE000  }
0x2b: {  	[hbm4b:s16+s2] =	stream.linear.scatter [tilespmem:s26], [sflag:$0x2], $0x2000, $0x38;
	[tilespmem:$0xE400] =	vst v63  }
0x2c: {  	s19 =	simm.s32 @!p0 $0x100;
	s16 =	sshll.u32 s28, $0x3;
	_ =	swait.ge [sflag:s10], $0x2000  }
0x2d: {  	s30 =	sadd.s32 s3, s19;
	s16 =	sand.u32 $0x1FFFF400, s16;
	[sflag:s10] =	ssyncset.done $0x0  }
0x2e: {  	s29 =	rddreg [dreg:$0x5];
	s16 =	sadd.s32 s5, s16;
	[sflag:s10] =	ssyncadd.s32 $0xFFFFE000  }
0x2f: {  	[hbm4b:s16+s2] =	stream.linear.scatter [tilespmem:s29], [sflag:$0x3], $0x2000, $0x38;
	[tilespmem:$0xE400] =	vst v63  }
0x30: {  	s17 =	sand.u32 $0x1FFFFC00, s17;
	s16 =	sshll.u32 s30, $0x3;
	_ =	swait.ge [sflag:s10], $0x2000  }
0x31: {  	p0 =	por $0x1, $0x1;
	s16 =	sand.u32 $0x1FFFF800, s16;
	[sflag:s10] =	ssyncset.done $0x0  }
0x32: {  	s31 =	rddreg [dreg:$0x6];
	s16 =	sadd.s32 s5, s16;
	[sflag:s10] =	ssyncadd.s32 $0xFFFFE000  }
0x33: {  	[hbm4b:s16+s2] =	stream.linear.scatter [tilespmem:s31], [sflag:$0x4], $0x2000, $0x38;
	[tilespmem:$0xE400] =	vst v63  }
0x34: {  	s20 =	sadd.s32 s5, s17;
	s17 =	simm.s32 $0x300;
	s16 =	simm.s32 $0x300  }
.LBB2_2:
0x35: {  	_ =	swait.ge [sflag:s10], $0x2000  }
0x36: {  	[sflag:s10] =	ssyncset.done $0x0  }
0x37: {  	s21 =	simm.s32 @p0 $0x2;
	[sflag:s10] =	ssyncadd.s32 $0xFFFFE000  }
0x38: {  	[hbm4b:s20+s2] =	stream.linear.scatter [tilespmem:s9], [sflag:$0x5], $0x2000, $0x38;
	[tilespmem:$0xE400] =	vst v63  }
0x39: {  	s23 =	sadd.s32 @p0 $0xFFFFFF80, s16;
	s25 =	simm.s32 @p0 $0x80;
	_ =	swait.ge @p0 [sflag:s21], $0x2000  }
0x3a: {  	s26 =	simm.s32 @p0 $0x3;
	s23 =	simm.s32 @!p0 $0x80;
	[sflag:s21] =	ssyncset.done @p0 $0x0  }
0x3b: {  	s20 =	sadd.s32 @p0 $0xFFFFFF00, s17;
	[sflag:s21] =	ssyncadd.s32 @p0 $0xFFFFE000;
	s21 =	simm.s32 @p0 $0x6400  }
0x3c: {  	[tilespmem:s21], [sflag:$0x1] =	stream.indirect.gather @p0 [hbm4b:s4+s25], $0x40, s20, s25, $0xb8;
	[tilespmem:$0xE400] =	vst v63  }
0x3d: {  	s23 =	sadd.s32 s3, s23;
	_ =	swait.ge @p0 [sflag:s26], $0x2000  }
0x3e: {  	s28 =	simm.s32 @p0 $0x8400;
	s29 =	sshll.u32 s23, $0x3;
	[sflag:s26] =	ssyncset.done @p0 $0x0  }
0x3f: {  	s23 =	simm.s32 @p0 $0x4;
	s21 =	sadd.s32 @p0 $0xFFFFFF80, s17;
	[sflag:s26] =	ssyncadd.s32 @p0 $0xFFFFE000  }
0x40: {  	[tilespmem:s28], [sflag:$0x1] =	stream.indirect.gather @p0 [hbm4b:s4+s25], $0x40, s21, s25, $0xb8;
	[tilespmem:$0xE400] =	vst v63  }
0x41: {  	s19 =	sadd.s32 @p0 $0xFFFFFF00, s16;
	s16 =	simm.s32 @!p0 $0x100;
	_ =	swait.ge @p0 [sflag:s23], $0x2000  }
0x42: {  	s16 =	sadd.s32 s3, s16;
	[sflag:s23] =	ssyncset.done @p0 $0x0  }
0x43: {  	s26 =	simm.s32 @p0 $0x5;
	s21 =	simm.s32 @p0 $0xA400;
	[sflag:s23] =	ssyncadd.s32 @p0 $0xFFFFE000  }
0x44: {  	[tilespmem:s21], [sflag:$0x1] =	stream.indirect.gather @p0 [hbm4b:s4+s25], $0x40, s17, s25, $0xb8;
	[tilespmem:$0xE400] =	vst v63  }
0x45: {  	s22 =	smov.u32 s18;
	s30 =	sshll.u32 s16, $0x3;
	_ =	swait.ge @p0 [sflag:s26], $0x2000  }
0x46: {  	s16 =	smov.u32 s22;
	s22 =	simm.s32 @!p0 $0x6400;
	[sflag:s26] =	ssyncset.done @p0 $0x0  }
0x47: {  	s23 =	simm.s32 @!p0 $0x0;
	s21 =	simm.s32 @!p0 $0x80;
	[sflag:s26] =	ssyncadd.s32 @p0 $0xFFFFE000  }
0x48: {  	[tilespmem:s22], [sflag:$0x1] =	stream.indirect.gather @!p0 [hbm4b:s4+s21], $0x40, s23, s21, $0xb8;
	[tilespmem:$0xE400] =	vst v63  }
0x49: {  	s22 =	simm.s32 @!p0 $0x8400  }
0x4a: {  	[tilespmem:s22], [sflag:$0x1] =	stream.indirect.gather @!p0 [hbm4b:s4+s21], $0x40, s21, s21, $0xb8;
	[tilespmem:$0xE400] =	vst v63  }
0x4b: {  	s19 =	simm.s32 @!p0 $0x0;
	s26 =	simm.s32 @!p0 $0xA400;
	s23 =	simm.s32 @!p0 $0x100  }
0x4c: {  	[tilespmem:s26], [sflag:$0x1] =	stream.indirect.gather @!p0 [hbm4b:s4+s21], $0x40, s23, s21, $0xb8;
	[tilespmem:$0xE400] =	vst v63  }
0x4d: {  	s24 =	sadd.s32 s3, s19;
	s19 =	sor.u32 $0x180, s19;
	s31 =	rddreg [dreg:$0x3]  }
0x4e: {  	[tilespmem:s9], [sflag:$0x1] =	stream.indirect.gather [hbm4b:s4+s31], $0x40, s19, s31, $0xb8;
	[tilespmem:$0xE400] =	vst v63  }
0x4f: {  	s24 =	sshll.u32 s24, $0x3;
	_ =	swait.ge [sflag:s10], $0x2000  }
0x50: {  	s24 =	sand.u32 $0x1FFFF000, s24;
	[sflag:s10] =	ssyncset.done $0x0  }
0x51: {  	s28 =	sadd.s32 s5, s24;
	s26 =	rddreg [dreg:$0x4];
	[sflag:s10] =	ssyncadd.s32 $0xFFFFE000  }
0x52: {  	[hbm4b:s28+s2] =	stream.linear.scatter [tilespmem:s26], [sflag:$0x2], $0x2000, $0x38;
	[tilespmem:$0xE400] =	vst v63  }
0x53: {  	s18 =	sadd.s32 $0x200, s18;
	s20 =	sand.u32 $0x1FFFF400, s29;
	_ =	swait.ge [sflag:s10], $0x2000  }
0x54: {  	p1 =	sne.s32 s18, $0x6500;
	s20 =	sadd.s32 s5, s20;
	[sflag:s10] =	ssyncset.done $0x0  }
0x55: {  	s25 =	sand.u32 $0x1FFFF800, s30;
	s29 =	rddreg [dreg:$0x5];
	[sflag:s10] =	ssyncadd.s32 $0xFFFFE000  }
0x56: {  	[hbm4b:s20+s2] =	stream.linear.scatter [tilespmem:s29], [sflag:$0x3], $0x2000, $0x38;
	[tilespmem:$0xE400] =	vst v63  }
.Ltmp0:
0x57: {  	s17 =	sadd.s32 $0x200, s17;
	s19 =	sadd.s32 s3, s19;
	(pc) =	sbr.rel @p1 .LBB2_2-.Ltmp0, $4  }
0x58: {  	p0 =	sne.s32 s16, $0x100;
	s19 =	sshll.u32 s19, $0x3;
	_ =	swait.ge [sflag:s10], $0x2000  }
0x59: {  	s31 =	sadd.s32 s5, s25;
	s19 =	sand.u32 $0x1FFFFC00, s19;
	[sflag:s10] =	ssyncset.done $0x0  }
0x5a: {  	s20 =	sadd.s32 s5, s19;
	s30 =	rddreg [dreg:$0x6];
	[sflag:s10] =	ssyncadd.s32 $0xFFFFE000  }
0x5b: {  	[hbm4b:s31+s2] =	stream.linear.scatter [tilespmem:s30], [sflag:$0x4], $0x2000, $0x38;
	[tilespmem:$0xE400] =	vst v63  }
0x5c: {  	_ =	swait.ge [sflag:s10], $0x2000  }
0x5d: {  	[sflag:s10] =	ssyncset.done $0x0  }
0x5e: {  	s18 =	simm.s32 @p0 $0x2;
	[sflag:s10] =	ssyncadd.s32 $0xFFFFE000  }
0x5f: {  	[hbm4b:s20+s2] =	stream.linear.scatter [tilespmem:s9], [sflag:$0x5], $0x2000, $0x38;
	[tilespmem:$0xE400] =	vst v63  }
0x60: {  	_ =	swait.ge @p0 [sflag:s18], $0x2000  }
0x61: {  	s19 =	sadd.s32 @p0 $0xFFFFFF00, s17;
	s21 =	simm.s32 @p0 $0x3;
	[sflag:s18] =	ssyncset.done @p0 $0x0  }
0x62: {  	s20 =	simm.s32 @p0 $0x80;
	[sflag:s18] =	ssyncadd.s32 @p0 $0xFFFFE000;
	s18 =	simm.s32 @p0 $0x6400  }
0x63: {  	[tilespmem:s18], [sflag:$0x1] =	stream.indirect.gather @p0 [hbm4b:s4+s20], $0x40, s19, s20, $0xb8;
	[tilespmem:$0xE400] =	vst v63  }
0x64: {  	_ =	swait.ge @p0 [sflag:s21], $0x2000  }
0x65: {  	s18 =	sadd.s32 @p0 $0xFFFFFF80, s17;
	[sflag:s21] =	ssyncset.done @p0 $0x0  }
0x66: {  	s19 =	simm.s32 @p0 $0x8400;
	[sflag:s21] =	ssyncadd.s32 @p0 $0xFFFFE000;
	s21 =	simm.s32 @p0 $0x4  }
0x67: {  	[tilespmem:s19], [sflag:$0x1] =	stream.indirect.gather @p0 [hbm4b:s4+s20], $0x40, s18, s20, $0xb8;
	[tilespmem:$0xE400] =	vst v63  }
0x68: {  	_ =	swait.ge @p0 [sflag:s21], $0x2000  }
0x69: {  	[sflag:s21] =	ssyncset.done @p0 $0x0  }
0x6a: {  	s18 =	simm.s32 @p0 $0xA400;
	s19 =	simm.s32 @p0 $0x5;
	[sflag:s21] =	ssyncadd.s32 @p0 $0xFFFFE000  }
0x6b: {  	[tilespmem:s18], [sflag:$0x1] =	stream.indirect.gather @p0 [hbm4b:s4+s20], $0x40, s17, s20, $0xb8;
	[tilespmem:$0xE400] =	vst v63  }
0x6c: {  	s17 =	sadd.s32 @p0 $0xFFFFFF00, s16;
	_ =	swait.ge @p0 [sflag:s19], $0x2000  }
0x6d: {  	s18 =	simm.s32 @!p0 $0x80;
	s20 =	simm.s32 @!p0 $0x0;
	[sflag:s19] =	ssyncset.done @p0 $0x0  }
0x6e: {  	s17 =	simm.s32 @!p0 $0x0;
	[sflag:s19] =	ssyncadd.s32 @p0 $0xFFFFE000;
	s19 =	simm.s32 @!p0 $0x6400  }
0x6f: {  	[tilespmem:s19], [sflag:$0x1] =	stream.indirect.gather @!p0 [hbm4b:s4+s18], $0x40, s20, s18, $0xb8;
	[tilespmem:$0xE400] =	vst v63  }
0x70: {  	s25 =	sor.u32 $0x180, s17;
	s19 =	simm.s32 @!p0 $0x8400  }
0x71: {  	[tilespmem:s19], [sflag:$0x1] =	stream.indirect.gather @!p0 [hbm4b:s4+s18], $0x40, s18, s18, $0xb8;
	[tilespmem:$0xE400] =	vst v63  }
0x72: {  	s17 =	sadd.s32 s3, s17;
	s20 =	simm.s32 @!p0 $0xA400;
	s19 =	simm.s32 @!p0 $0x100  }
0x73: {  	[tilespmem:s20], [sflag:$0x1] =	stream.indirect.gather @!p0 [hbm4b:s4+s18], $0x40, s19, s18, $0xb8;
	[tilespmem:$0xE400] =	vst v63  }
0x74: {  	s24 =	rddreg [dreg:$0x3];
	s17 =	sshll.u32 s17, $0x3  }
0x75: {  	[tilespmem:s9], [sflag:$0x1] =	stream.indirect.gather [hbm4b:s4+s24], $0x40, s25, s24, $0xb8;
	[tilespmem:$0xE400] =	vst v63  }
0x76: {  	s17 =	sand.u32 $0x1FFFF000, s17;
	s20 =	sadd.s32 @p0 $0xFFFFFF80, s16;
	_ =	swait.ge [sflag:s10], $0x2000  }
0x77: {  	s17 =	sadd.s32 s5, s17;
	s20 =	simm.s32 @!p0 $0x80;
	[sflag:s10] =	ssyncset.done $0x0  }
0x78: {  	s28 =	sadd.s32 s3, s20;
	s26 =	rddreg [dreg:$0x4];
	[sflag:s10] =	ssyncadd.s32 $0xFFFFE000  }
0x79: {  	[hbm4b:s17+s2] =	stream.linear.scatter [tilespmem:s26], [sflag:$0x2], $0x2000, $0x38;
	[tilespmem:$0xE400] =	vst v63  }
0x7a: {  	s16 =	simm.s32 @!p0 $0x100;
	s17 =	sshll.u32 s28, $0x3;
	_ =	swait.ge [sflag:s10], $0x2000  }
0x7b: {  	s16 =	sadd.s32 s3, s16;
	s17 =	sand.u32 $0x1FFFF400, s17;
	[sflag:s10] =	ssyncset.done $0x0  }
0x7c: {  	s29 =	rddreg [dreg:$0x5];
	s17 =	sadd.s32 s5, s17;
	[sflag:s10] =	ssyncadd.s32 $0xFFFFE000  }
0x7d: {  	[hbm4b:s17+s2] =	stream.linear.scatter [tilespmem:s29], [sflag:$0x3], $0x2000, $0x38;
	[tilespmem:$0xE400] =	vst v63  }
0x7e: {  	s16 =	sshll.u32 s16, $0x3;
	_ =	swait.ge [sflag:s10], $0x2000  }
0x7f: {  	s18 =	sadd.s32 s3, s25;
	s16 =	sand.u32 $0x1FFFF800, s16;
	[sflag:s10] =	ssyncset.done $0x0  }
0x80: {  	s16 =	sadd.s32 s5, s16;
	s30 =	rddreg [dreg:$0x6];
	[sflag:s10] =	ssyncadd.s32 $0xFFFFE000  }
0x81: {  	[hbm4b:s16+s2] =	stream.linear.scatter [tilespmem:s30], [sflag:$0x4], $0x2000, $0x38;
	[tilespmem:$0xE400] =	vst v63  }
0x82: {  	s31 =	sshll.u32 s18, $0x3;
	_ =	swait.ge [sflag:s10], $0x2000  }
0x83: {  	s16 =	sand.u32 $0x1FFFFC00, s31;
	[sflag:s10] =	ssyncset.done $0x0  }
0x84: {  	s16 =	sadd.s32 s5, s16;
	[sflag:s10] =	ssyncadd.s32 $0xFFFFE000  }
0x85: {  	[hbm4b:s16+s2] =	stream.linear.scatter [tilespmem:s9], [sflag:$0x5], $0x2000, $0x38;
	[tilespmem:$0xE400] =	vst v63  }
0x86: {  	_ =	swait.ge [sflag:s11], $0x2000  }
0x87: {  	[sflag:s11] =	ssyncset.done $0x0  }
0x88: {  	[sflag:s11] =	ssyncadd.s32 $0xFFFFE000  }
0x89: {  	_ =	swait.ge [sflag:s12], $0x2000  }
0x8a: {  	[sflag:s12] =	ssyncset.done $0x0  }
0x8b: {  	s15 =	sadd.s32 $0x1, s15;
	[sflag:s12] =	ssyncadd.s32 $0xFFFFE000  }
0x8c: {  	p0 =	sne.s32 s15, s7;
	_ =	swait.ge [sflag:s13], $0x2000  }
.Ltmp1:
0x8d: {  	[sflag:s13] =	ssyncset.done $0x0;
	(pc) =	sbr.rel @p0 .LBB2_1-.Ltmp1, $4  }
0x8e: {  	[sflag:s13] =	ssyncadd.s32 $0xFFFFE000  }
0x8f: {  	_ =	swait.ge [sflag:s14], $0x2000  }
0x90: {  	[sflag:s14] =	ssyncset.done $0x0  }
0x91: {  	[sflag:s14] =	ssyncadd.s32 $0xFFFFE000  }
0x92: {  	_ =	sfence.sel $0x180000  }
0x93: {  	[bflag:$0x0] =	sbarrier.arrive $0xFFFF  }
0x94: {  	p0 =	sne.s32 s0, $0x0;
	_ =	strace $0x90000047  }
0x95: {  	s0 =	sadd.s32 @!p0 $0x100000, s1;
	[bflag:$0x2] =	sbarrier.arrive $0xFFFF  }
0x96: {  	[sflag:s0] =	ssyncadd.tile.s32 @!p0 $0x1;
	_ =	shalt  }
.Lfunc_end2:
_tile_overlayer_lowered:
.L_overlay_start_2:
0x97: {  	(tag) =	ssettag $0x2  }
0x98: {  	s0 =	rddreg [dreg:$0x0];
	s2 =	stileid.u32  }
0x99: {  	s1 =	rddreg [dreg:$0x1];
	p0 =	sne.s32 s2, $0x0  }
0x9a: {  	s3 =	rddreg [dreg:$0x2];
	[bflag:$0x3] =	sbarrier.arrive $0xFFFF;
	s2 =	simm.s32 @!p0 $0x1C06  }
0x9b: {  	[timem:s3], [sflag:s2] =	dma.local @!p0 [hbm:s0], s1  }
0x9c: {  	s0 =	simm.s32 @!p0 $0x6  }
0x9d: {  	_ =	swait.ge @!p0 [sflag:s0], s1  }
0x9e: {  	s1 =	ssub.s32 @!p0 $0x0, s1;
	[sflag:s0] =	ssyncset.done @!p0 $0x0  }
0x9f: {  	[sflag:s0] =	ssyncadd.s32 @!p0 s1  }
0xa0: {  	[bflag:$0x3] =	sbarrier.arrive $0xFFFF  }
0xa1: {  	_ =	shalt  }

</sc_bundles>
